<compile_context>
chip_gen: v7x
topology: tpu7x:2x2x1
jax: 0.10.2.dev20260603
libtpu: 0.0.44.dev20260713+nightly
codegen_flags: <defaults>
</compile_context>

<pallas_src>
import functools

import jax
import jax.numpy as jnp
from jax import lax
from jax.experimental import pallas as pl
from jax.experimental.pallas import tpu as pltpu
from jax.experimental.pallas import tpu_sc as plsc

NUM_PATCHES = 8192
PROJ_DIM = 1024

SC_ROWS = 512
TC_ROWS = NUM_PATCHES - SC_ROWS

SC_CHUNK = 256
SC_NBUF = 2

TC_BLOCK = 1920
MERGE_BLOCK = 512


@functools.lru_cache(maxsize=None)
def _make_sc_gather():
    info = plsc.get_sparse_core_info()
    nc = info.num_cores
    rows_per_c = SC_ROWS // nc
    n_ch = rows_per_c // SC_CHUNK

    mesh = plsc.ScalarSubcoreMesh(axis_name="c", num_cores=nc)

    @functools.partial(
        pl.kernel,
        out_type=jax.ShapeDtypeStruct((SC_ROWS, PROJ_DIM), jnp.float32),
        mesh=mesh,
        scratch_types=(
            [pltpu.VMEM_SHARED((SC_NBUF * SC_CHUNK, PROJ_DIM), jnp.float32)]
            + [pltpu.SemaphoreType.DMA] * (2 * SC_NBUF)
        ),
    )
    def gather_rows(table_hbm, piece_hbm, shared, *sems):
        sin = sems[:SC_NBUF]
        sout = sems[SC_NBUF:]
        cid = lax.axis_index("c")
        src_base = TC_ROWS + cid * rows_per_c
        dst_base = cid * rows_per_c

        def in_copy(i):
            b = i % SC_NBUF
            return pltpu.async_copy(
                table_hbm.at[pl.ds(src_base + i * SC_CHUNK, SC_CHUNK)],
                shared.at[pl.ds(b * SC_CHUNK, SC_CHUNK)], sin[b])

        def out_copy(i):
            b = i % SC_NBUF
            return pltpu.async_copy(
                shared.at[pl.ds(b * SC_CHUNK, SC_CHUNK)],
                piece_hbm.at[pl.ds(dst_base + i * SC_CHUNK, SC_CHUNK)],
                sout[b])

        h_in = [None] * n_ch
        h_out = [None] * n_ch
        h_in[0] = in_copy(0)
        for i in range(n_ch):
            if i + 1 < n_ch:
                if i + 1 - SC_NBUF >= 0:
                    h_out[i + 1 - SC_NBUF].wait()
                h_in[i + 1] = in_copy(i + 1)
            h_in[i].wait()
            h_out[i] = out_copy(i)
        for j in range(max(0, n_ch - SC_NBUF), n_ch):
            h_out[j].wait()

    return gather_rows


def _copy_body(src_ref, out_ref):
    out_ref[...] = src_ref[...]


@functools.lru_cache(maxsize=None)
def _make_tc_bulk():
    return pl.pallas_call(
        _copy_body,
        grid=(TC_ROWS // TC_BLOCK,),
        in_specs=[pl.BlockSpec((TC_BLOCK, PROJ_DIM), lambda i: (i, 0))],
        out_specs=pl.BlockSpec((TC_BLOCK, PROJ_DIM), lambda i: (i, 0)),
        out_shape=jax.ShapeDtypeStruct((NUM_PATCHES, PROJ_DIM), jnp.float32),
    )


def _merge_body(piece_ref, full_ref, out_ref):
    del full_ref
    out_ref[...] = piece_ref[...]


@functools.lru_cache(maxsize=None)
def _make_tc_merge():
    base = TC_ROWS // MERGE_BLOCK
    return pl.pallas_call(
        _merge_body,
        grid=(SC_ROWS // MERGE_BLOCK,),
        in_specs=[
            pl.BlockSpec((MERGE_BLOCK, PROJ_DIM), lambda i: (i, 0)),
            pl.BlockSpec(memory_space=pltpu.MemorySpace.HBM),
        ],
        out_specs=pl.BlockSpec((MERGE_BLOCK, PROJ_DIM), lambda i: (base + i, 0)),
        out_shape=jax.ShapeDtypeStruct((NUM_PATCHES, PROJ_DIM), jnp.float32),
        input_output_aliases={1: 0},
    )


def kernel(tokens, table):
    del tokens
    sc_piece = _make_sc_gather()(table)
    tc_full = _make_tc_bulk()(table)
    out = _make_tc_merge()(sc_piece, tc_full)
    return out[None]

# --- scband reference (transcript-rebuilt; emitter-appended) ---
"""Pipeline reference for scband-position-embedding-11295763988631 (READ-ONLY COPY).

The authoritative reference and input builder live on the scoring server;
editing this copy changes nothing except your own understanding.
"""

import jax, jax.numpy as jnp
import numpy as np

BATCH = 4
NUM_PATCHES = 8192
PROJ_DIM = 1024

def setup_inputs(seed: int = 0) -> dict:
    key = jax.random.key(seed)
    k1, k2 = jax.random.split(key)
    tokens = jax.random.normal(k1, (BATCH, NUM_PATCHES, PROJ_DIM), dtype=jnp.float32)
    # Embedding table created inside call(): shape [num_patches, projection_dim],
    # Keras Embedding default init ~ uniform(-0.05, 0.05)
    table = jax.random.uniform(k2, (NUM_PATCHES, PROJ_DIM), dtype=jnp.float32, minval=-0.05, maxval=0.05)
    return {"tokens": tokens, "table": table}

def reference(tokens, table):
    num_patches = tokens.shape[1]
    positions = jnp.expand_dims(jnp.arange(0, num_patches, 1), axis=0)  # [1, N]
    positions_embeded = jnp.take(table, positions, axis=0)  # [1, N, D]
    # tokens is rank 3, positions_embeded is rank 3 -> no extra expand_dims
    if positions_embeded.ndim != tokens.ndim:
        num_missing = tokens.ndim - positions_embeded.ndim
        for i in range(2, 2 + num_missing):
            positions_embeded = jnp.expand_dims(positions_embeded, axis=-i)
    return positions_embeded

if __name__ == "__main__":
    import jax
    _d = setup_inputs()
    print(jax.jit(kernel)(*tuple(_d.values())))

</pallas_src>

<mosaic_0001>
#map = affine_map<(d0) -> (0, 0)>
module attributes {stable_mosaic.version = 14 : i64} {
  func.func @gather_rows(%arg0: i32, %arg1: memref<8192x1024xf32, #tpu.memory_space<hbm>>, %arg2: memref<512x1024xf32, #tpu.memory_space<hbm>>, %arg3: memref<512x1024xf32, #tpu.memory_space<vmem_shared>>, %arg4: memref<!tpu.dma_semaphore, #tpu.memory_space<semaphore_mem>>, %arg5: memref<!tpu.dma_semaphore, #tpu.memory_space<semaphore_mem>>, %arg6: memref<!tpu.dma_semaphore, #tpu.memory_space<semaphore_mem>>, %arg7: memref<!tpu.dma_semaphore, #tpu.memory_space<semaphore_mem>>) attributes {dimension_semantics = [#tpu.dimension_semantics<core_parallel>], iteration_bounds = array<i64: 2>, scalar_prefetch = 0 : i64, scratch_operands = 5 : i64, tpu.core_type = #tpu.core_type<sc_scalar_subcore>, window_params = [{transform_indices = #map}, {transform_indices = #map}]} {
    %mul3A = arith.constant 256 : i32
    %mul3A_0 = arith.muli %arg0, %mul3A : i32
    %add3A = arith.constant 7680 : i32
    %add3A_1 = arith.addi %add3A, %mul3A_0 : i32
    %mul3A_2 = arith.constant 256 : i32
    %mul3A_3 = arith.muli %arg0, %mul3A_2 : i32
    %add3A_4 = arith.constant 0 : i32
    %add3A_5 = arith.addi %add3A_1, %add3A_4 : i32
    %dma_start3A = arith.constant 0 : i32
    %dma_start3A_6 = arith.constant 0 : i32
    %dma_start3A_7 = tpu.memref_slice %arg3[%dma_start3A, %dma_start3A_6] : memref<512x1024xf32, #tpu.memory_space<vmem_shared>> -> memref<256x1024xf32, #tpu.memory_space<vmem_shared>>
    %dma_start3A_8 = arith.constant 0 : i32
    %dma_start3A_9 = tpu.memref_slice %arg1[%add3A_5, %dma_start3A_8] : memref<8192x1024xf32, #tpu.memory_space<hbm>> -> memref<256x1024xf32, #tpu.memory_space<hbm>>
    tpu.enqueue_dma source(%dma_start3A_9 : memref<256x1024xf32, #tpu.memory_space<hbm>>) target(%dma_start3A_7 : memref<256x1024xf32, #tpu.memory_space<vmem_shared>>) target_semaphore(%arg4 : memref<!tpu.dma_semaphore, #tpu.memory_space<semaphore_mem>>)
    %dma_wait3A = arith.constant 0 : i32
    %dma_wait3A_10 = arith.constant 0 : i32
    %dma_wait3A_11 = tpu.memref_slice %arg3[%dma_wait3A, %dma_wait3A_10] : memref<512x1024xf32, #tpu.memory_space<vmem_shared>> -> memref<256x1024xf32, #tpu.memory_space<vmem_shared>>
    %dma_wait3A_12 = arith.constant 0 : i32
    %dma_wait3A_13 = tpu.memref_slice %arg1[%add3A_5, %dma_wait3A_12] : memref<8192x1024xf32, #tpu.memory_space<hbm>> -> memref<256x1024xf32, #tpu.memory_space<hbm>>
    tpu.wait_dma2 semaphore(%arg4 : memref<!tpu.dma_semaphore, #tpu.memory_space<semaphore_mem>>) src(%dma_wait3A_13 : memref<256x1024xf32, #tpu.memory_space<hbm>>) dst(%dma_wait3A_11 : memref<256x1024xf32, #tpu.memory_space<vmem_shared>>)
    %add3A_14 = arith.constant 0 : i32
    %add3A_15 = arith.addi %mul3A_3, %add3A_14 : i32
    %dma_start3A_16 = arith.constant 0 : i32
    %dma_start3A_17 = tpu.memref_slice %arg2[%add3A_15, %dma_start3A_16] : memref<512x1024xf32, #tpu.memory_space<hbm>> -> memref<256x1024xf32, #tpu.memory_space<hbm>>
    %dma_start3A_18 = arith.constant 0 : i32
    %dma_start3A_19 = arith.constant 0 : i32
    %dma_start3A_20 = tpu.memref_slice %arg3[%dma_start3A_18, %dma_start3A_19] : memref<512x1024xf32, #tpu.memory_space<vmem_shared>> -> memref<256x1024xf32, #tpu.memory_space<vmem_shared>>
    tpu.enqueue_dma source(%dma_start3A_20 : memref<256x1024xf32, #tpu.memory_space<vmem_shared>>) target(%dma_start3A_17 : memref<256x1024xf32, #tpu.memory_space<hbm>>) target_semaphore(%arg6 : memref<!tpu.dma_semaphore, #tpu.memory_space<semaphore_mem>>)
    %dma_wait3A_21 = arith.constant 0 : i32
    %dma_wait3A_22 = tpu.memref_slice %arg2[%add3A_15, %dma_wait3A_21] : memref<512x1024xf32, #tpu.memory_space<hbm>> -> memref<256x1024xf32, #tpu.memory_space<hbm>>
    %dma_wait3A_23 = arith.constant 0 : i32
    %dma_wait3A_24 = arith.constant 0 : i32
    %dma_wait3A_25 = tpu.memref_slice %arg3[%dma_wait3A_23, %dma_wait3A_24] : memref<512x1024xf32, #tpu.memory_space<vmem_shared>> -> memref<256x1024xf32, #tpu.memory_space<vmem_shared>>
    tpu.wait_dma2 semaphore(%arg6 : memref<!tpu.dma_semaphore, #tpu.memory_space<semaphore_mem>>) src(%dma_wait3A_25 : memref<256x1024xf32, #tpu.memory_space<vmem_shared>>) dst(%dma_wait3A_22 : memref<256x1024xf32, #tpu.memory_space<hbm>>)
    return
  }
}

module attributes {stable_mosaic.version = 14 : i64} {
  func.func @_copy_body(%arg0: i32, %arg1: memref<1920x1024xf32, #tpu.memory_space<vmem>>, %arg2: memref<1920x1024xf32, #tpu.memory_space<vmem>>) attributes {dimension_semantics = [#tpu.dimension_semantics<arbitrary>], iteration_bounds = array<i64: 4>, scalar_prefetch = 0 : i64, scratch_operands = 0 : i64, tpu.core_type = #tpu.core_type<tc>, window_params = [{transform_indices = @transform_0, window_bounds = array<i64: 1920, 1024>}, {transform_indices = @transform_1, window_bounds = array<i64: 1920, 1024>}]} {
    %get3A = arith.constant 0 : index
    %get3A_0 = arith.constant 0 : index
    %get3A_1 = vector.load %arg1[%get3A, %get3A_0] : memref<1920x1024xf32, #tpu.memory_space<vmem>>, vector<1920x1024xf32>
    %swap3A = arith.constant 0 : index
    %swap3A_2 = arith.constant 0 : index
    %swap3A_3 = vector.load %arg2[%swap3A, %swap3A_2] : memref<1920x1024xf32, #tpu.memory_space<vmem>>, vector<1920x1024xf32>
    tpu.vector_store %arg2[%swap3A, %swap3A_2], %get3A_1 {strides = array<i32>} : memref<1920x1024xf32, #tpu.memory_space<vmem>>, vector<1920x1024xf32>,
    return
  }
  func.func @transform_0(%arg0: i32) -> (i32, i32) {
    %c0_i32 = arith.constant 0 : i32
    %c0_i32_0 = arith.constant 0 : i32
    return %arg0, %c0_i32 : i32, i32
  }
  func.func @transform_1(%arg0: i32) -> (i32, i32) {
    %c0_i32 = arith.constant 0 : i32
    %c0_i32_0 = arith.constant 0 : i32
    return %arg0, %c0_i32 : i32, i32
  }
}

module attributes {stable_mosaic.version = 14 : i64} {
  func.func @_merge_body(%arg0: i32, %arg1: memref<512x1024xf32, #tpu.memory_space<vmem>>, %arg2: memref<8192x1024xf32, #tpu.memory_space<hbm>>, %arg3: memref<512x1024xf32, #tpu.memory_space<vmem>>) attributes {dimension_semantics = [#tpu.dimension_semantics<arbitrary>], iteration_bounds = array<i64: 1>, scalar_prefetch = 0 : i64, scratch_operands = 0 : i64, tpu.core_type = #tpu.core_type<tc>, window_params = [{transform_indices = @transform_0, window_bounds = array<i64: 512, 1024>}, {}, {transform_indices = @transform_2, window_bounds = array<i64: 512, 1024>}]} {
    %get3A = arith.constant 0 : index
    %get3A_0 = arith.constant 0 : index
    %get3A_1 = vector.load %arg1[%get3A, %get3A_0] : memref<512x1024xf32, #tpu.memory_space<vmem>>, vector<512x1024xf32>
    %swap3A = arith.constant 0 : index
    %swap3A_2 = arith.constant 0 : index
    %swap3A_3 = vector.load %arg3[%swap3A, %swap3A_2] : memref<512x1024xf32, #tpu.memory_space<vmem>>, vector<512x1024xf32>
    tpu.vector_store %arg3[%swap3A, %swap3A_2], %get3A_1 {strides = array<i32>} : memref<512x1024xf32, #tpu.memory_space<vmem>>, vector<512x1024xf32>,
    return
  }
  func.func @transform_0(%arg0: i32) -> (i32, i32) {
    %c0_i32 = arith.constant 0 : i32
    %c0_i32_0 = arith.constant 0 : i32
    return %arg0, %c0_i32 : i32, i32
  }
  func.func @transform_2(%arg0: i32) -> (i32, i32) {
    %add3A = arith.constant 15 : i32
    %add3A_0 = arith.addi %add3A, %arg0 : i32
    %c0_i32 = arith.constant 0 : i32
    %c0_i32_1 = arith.constant 0 : i32
    return %add3A_0, %c0_i32 : i32, i32
  }
}

</mosaic_0001>

<sc_bundles>
// kernel: kernel.5.cloned.1.call-start
scs
__scs_entry_jumppad:
0x0: {  	(pc) =	sbr.rel $0x88, $3  }
0x1: {  	(tag) =	ssettag $0x0;
	lr =	simm.s32 $0x1  }
0x2: {  	[smem:$0x3FA0] =	sst lr;
	_ =	strace $0xD0000000  }
0x3: {  	_ = 	snop  }
0x4: {  	_ = 	snop  }
0x5: {  	_ = 	snop  }
0x6: {  	_ = 	snop  }
0x7: {  	_ = 	snop  }
__scs_overlays_trampoline_lowered:
0x8: {  	[smem:$0x3FAF] =	sst s0  }
0x9: {  	[smem:$0x3FB0] =	sst s1  }
0xa: {  	[smem:$0x3FB1] =	sst s2  }
0xb: {  	[smem:$0x3FB2] =	sst s3  }
0xc: {  	[smem:$0x3FB3] =	sst s4  }
0xd: {  	[smem:$0x3FB4] =	sst s5  }
0xe: {  	[smem:$0x3FB5] =	sst s6  }
0xf: {  	[smem:$0x3FB6] =	sst s7  }
0x10: {  	[smem:$0x3FB7] =	sst s8  }
0x11: {  	[smem:$0x3FB8] =	sst s9;
	s0 =	simm.s32 @!p0 $0x0  }
0x12: {  	s1 =	sld [smem:$0x3F9E];
	s0 =	simm.s32 @p0 $0x1  }
0x13: {  	[smem:$0x3FB9] =	sst s0;
	s0 =	simm.s32 @!p1 $0x0  }
0x14: {  	s2 =	sld [smem:$0x3F9D];
	s0 =	simm.s32 @p1 $0x1  }
0x15: {  	[smem:$0x3FBA] =	sst s0;
	s0 =	simm.s32 @!p2 $0x0  }
0x16: {  	s3 =	sld [smem:$0x3FDB];
	s0 =	simm.s32 @p2 $0x1  }
0x17: {  	s4 =	simm.s32 $0x1BF5;
	[smem:$0x3FBC] =	sst s0  }
0x18: {  	s0 =	sld [smem:$0x3F9F];
	_ =	swait.ge [sflag:s4], $0x0  }
0x19: {  	s7 =	sld [smem:$0x3FA0]  }
0x1a: {  	s8 =	sadd.s32 $0xFFFFE003, lr  }
0x1b: {  	s9 =	sadd.s32 $0xFFFFFEF7, lr;
	s5 =	simm.s32 $0xFFFFFFFF;
	p2 =	slt.u32 s8, $0xFFFFF086  }
0x1c: {  	p1 =	slt.u32 s9, $0xF7A;
	s5 =	simm.s32 @!p2 $0x0  }
0x1d: {  	s5 =	simm.s32 @p1 $0x1;
	p0 =	seq.s32 s7, s2  }
0x1e: {  	s7 =	smul.u32 @!p0 $0xF7A, s2;
	p2 =	seq.s32 @!p0 s5, $0x0  }
0x1f: {  	s9 =	smul.u32 $0xF7A, s1;
	s8 =	simm.s32 @!p0 $0x1BF5;
	p2 =	por !p2, p0  }
0x20: {  	[sflag:s8] =	ssyncset.s32 @!p0 $0xFFFFF086;
	s6 =	sadd.s32 @!p0 s3, s7;
	s7 =	simm.s32 @!p0 $0x108  }
0x21: {  	s3 =	sadd.s32 s3, s9;
	s6 =	sadd.s32 @!p0 $0x88, s6;
	s7 =	simm.s32 @p2 $0x1082  }
0x22: {  	[simem:s7], [sflag:s8] =	dma.local @!p0 [hbm:s6], $0xF7A  }
0x23: {  	s9 =	sor.u32 $0xD0000000, s2;
	s6 =	simm.s32 $0x108;
	_ =	swait.ge @!p0 [sflag:s8], $0x0  }
0x24: {  	s3 =	sadd.s32 $0x88, s3;
	s6 =	simm.s32 @!p1 $0x1082;
	[sflag:s4] =	ssyncset.s32 $0xFFFFF086  }
0x25: {  	[simem:s6], [sflag:s4] =	dma.local [hbm:s3], $0xF7A  }
0x26: {  	[smem:$0x3FA0] =	sst s1;
	(tag) =	ssettag s2;
	_ =	strace s9  }
0x27: {  	s1 =	sld [smem:$0x3FB0]  }
0x28: {  	s2 =	sld [smem:$0x3FB1]  }
0x29: {  	s4 =	sld [smem:$0x3FB3]  }
0x2a: {  	p0 =	seq.s32 s5, $0x0;
	s5 =	sld [smem:$0x3FB4]  }
0x2b: {  	s6 =	sld [smem:$0x3FB5]  }
0x2c: {  	s7 =	sld [smem:$0x3FB6]  }
0x2d: {  	s3 =	simm.s32 $0x108;
	s8 =	sld [smem:$0x3FB7]  }
0x2e: {  	s3 =	simm.s32 @!p0 $0x1082;
	s9 =	sld [smem:$0x3FB8]  }
0x2f: {  	lr =	sadd.s32 s0, s3;
	s0 =	sld [smem:$0x3FAF]  }
0x30: {  	s3 =	sld [smem:$0x3FB2]  }
0x31: {  	[smem:$0x3FBB] =	sst s10  }
0x32: {  	s10 =	sld [smem:$0x3FB9];
	_ =	sdelay $0x3  }
0x33: {  	p0 =	seq.s32 s10, $0x1;
	s10 =	sld [smem:$0x3FBB];
	_ =	sdelay $0x3  }
0x34: {  	[smem:$0x3FBB] =	sst s10  }
0x35: {  	s10 =	sld [smem:$0x3FBA];
	_ =	sdelay $0x3  }
0x36: {  	p1 =	seq.s32 s10, $0x1;
	s10 =	sld [smem:$0x3FBB];
	_ =	sdelay $0x3  }
0x37: {  	[smem:$0x3FBB] =	sst s10  }
0x38: {  	s10 =	sld [smem:$0x3FBC]  }
0x39: {  	_ = 	snop;
	(pc) =	sbr.ind lr, $3  }
0x3a: {  	_ = 	snop  }
0x3b: {  	_ = 	snop  }
0x3c: {  	p2 =	seq.s32 s10, $0x1;
	s10 =	sld [smem:$0x3FBB]  }
0x3d: {  	_ =	shalt  }
0x3e: {  	_ =	shalt  }
0x3f: {  	_ =	shalt  }
0x40: {  	_ =	shalt  }
0x41: {  	_ =	shalt  }
0x42: {  	_ =	shalt  }
0x43: {  	_ =	shalt  }
0x44: {  	_ =	shalt  }
0x45: {  	_ =	shalt  }
0x46: {  	_ =	shalt  }
0x47: {  	_ =	shalt  }
0x48: {  	_ =	shalt  }
0x49: {  	_ =	shalt  }
0x4a: {  	_ =	shalt  }
0x4b: {  	_ =	shalt  }
0x4c: {  	_ =	shalt  }
0x4d: {  	_ =	shalt  }
0x4e: {  	_ =	shalt  }
0x4f: {  	_ =	shalt  }
0x50: {  	_ =	shalt  }
0x51: {  	_ =	shalt  }
0x52: {  	_ =	shalt  }
0x53: {  	_ =	shalt  }
0x54: {  	_ =	shalt  }
0x55: {  	_ =	shalt  }
0x56: {  	_ =	shalt  }
0x57: {  	_ =	shalt  }
0x58: {  	_ =	shalt  }
0x59: {  	_ =	shalt  }
0x5a: {  	_ =	shalt  }
0x5b: {  	_ =	shalt  }
0x5c: {  	_ =	shalt  }
0x5d: {  	_ =	shalt  }
0x5e: {  	_ =	shalt  }
0x5f: {  	_ =	shalt  }
0x60: {  	_ =	shalt  }
0x61: {  	_ =	shalt  }
0x62: {  	_ =	shalt  }
0x63: {  	_ =	shalt  }
0x64: {  	_ =	shalt  }
0x65: {  	_ =	shalt  }
0x66: {  	_ =	shalt  }
0x67: {  	_ =	shalt  }
0x68: {  	_ =	shalt  }
0x69: {  	_ =	shalt  }
0x6a: {  	_ =	shalt  }
0x6b: {  	_ =	shalt  }
0x6c: {  	_ =	shalt  }
0x6d: {  	_ =	shalt  }
0x6e: {  	_ =	shalt  }
0x6f: {  	_ =	shalt  }
0x70: {  	_ =	shalt  }
0x71: {  	_ =	shalt  }
0x72: {  	_ =	shalt  }
0x73: {  	_ =	shalt  }
0x74: {  	_ =	shalt  }
0x75: {  	_ =	shalt  }
0x76: {  	_ =	shalt  }
0x77: {  	_ =	shalt  }
0x78: {  	_ =	shalt  }
0x79: {  	_ =	shalt  }
0x7a: {  	_ =	shalt  }
0x7b: {  	_ =	shalt  }
0x7c: {  	_ =	shalt  }
0x7d: {  	_ =	shalt  }
0x7e: {  	_ =	shalt  }
0x7f: {  	_ =	shalt  }
0x80: {  	_ =	shalt  }
0x81: {  	_ =	shalt  }
0x82: {  	_ =	shalt  }
0x83: {  	_ =	shalt  }
0x84: {  	_ =	shalt  }
0x85: {  	_ =	shalt  }
0x86: {  	_ =	shalt  }
0x87: {  	_ =	shalt  }
.Lfunc_end0:
.L_simem_size_0:
called_computation_lowered:
.L_overlay_start_0:
0x88: {  	s0 =	sld [smem:$0x3FD9]  }
0x89: {  	s1 =	sld [smem:$0x3FFE];
	_ =	sdelay $0x1  }
0x8a: {  	s2 =	srdreg.scid  }
0x8b: {  	s3 =	sand.u32 $0x1, s2  }
0x8c: {  	s22 =	sshll.u32 s3, $0xA;
	s0 =	sadd.s32 s1, s0  }
0x8d: {  	s0 =	sadd.s32 s0, s22  }
0x8e: {  	s23 =	simm.s32 $0x0;
	[smem:$0x3FC7] =	sst s0  }
0x8f: {  	[smem:$0xF] =	sst s23  }
0x90: {  	s0 =	sld [smem:$0x3FC9];
	(tm) =	ssettm $0x1  }
0x91: {  	s4 =	sld [smem:$0x3FFB];
	_ =	sdelay $0x3  }
0x92: {  	_ =	strace s4  }
0x93: {  	s4 =	sld [smem:$0x3FFC];
	_ =	sdelay $0x3  }
0x94: {  	_ =	strace s4  }
0x95: {  	s4 =	sld [smem:$0x3FFD];
	_ =	sdelay $0x3  }
0x96: {  	_ =	strace s4  }
0x97: {  	s24 =	simm.s32 $0x1B8B;
	_ =	strace $0x8FFFFFFF  }
0x98: {  	_ =	swait.ge [sflag:s24], $0x1  }
0x99: {  	[sflag:s24] =	ssyncset.done $0x0  }
0x9a: {  	s5 =	simm.s32 $0x1B8E;
	s6 =	sshll.u32 s3, $0xF;
	[sflag:s24] =	ssyncadd.s32 $0xFFFFFFFF  }
0x9b: {  	s26 =	simm.s32 $0x9;
	s0 =	sadd.s32 s6, s0;
	[smem:$0x3FD2] =	sst s5  }
0x9c: {  	s0 =	sadd.s32 $0xF0000, s0;
	s25 =	sld [smem:$0x3FFE];
	_ =	strace $0x80000046  }
0x9d: {  	[spmem:s23], [sflag:s26] =	dma.local [hbm:s0], $0x8000  }
0x9e: {  	_ =	swait.ge [sflag:s26], $0x8000  }
0x9f: {  	[sflag:s26] =	ssyncset.done $0x0  }
0xa0: {  	s28 =	sadd.s32 s6, s25;
	[sflag:s26] =	ssyncadd.s32 $0xFFFF8000  }
0xa1: {  	s29 =	simm.s32 $0xA;
	s0 =	sadd.s32 $0x600, s28  }
0xa2: {  	[hbm:s0], [sflag:s29] =	dma.local [spmem:s23], $0x8000  }
0xa3: {  	_ =	swait.ge [sflag:s29], $0x8000  }
0xa4: {  	[sflag:s29] =	ssyncset.done $0x0  }
0xa5: {  	[sflag:s29] =	ssyncadd.s32 $0xFFFF8000  }
0xa6: {  	_ =	strace $0x90000046  }
0xa7: {  	_ =	sfence  }
0xa8: {  	s30 =	sld [smem:$0x0];
	_ =	sdelay $0x2  }
0xa9: {  	s31 =	sshll.u32 s2, $0xD;
	s2 =	sshrl.u32 s2, $0x2  }
0xaa: {  	s1 =	sand.u32 $0x4000, s31;
	s0 =	sadd.s32 s2, s30  }
0xab: {  	s1 =	sor.u32 s1, s3;
	s0 =	sshll.u32 s0, $0x11  }
0xac: {  	s0 =	sor.u32 s0, s1  }
0xad: {  	s0 =	sadd.s32 $0x8F2B, s0;
	(pc) =	sbr.abs _section_cstart, $3  }
0xae: {  	[sflag:s0] =	ssyncadd.remote.s32 $0x1  }
0xaf: {  	_ =	strace $0x9FFFFFFF  }
0xb0: {  	(tm) =	ssettm $0x7FFFFFFF  }
0xb1: {  	_ =	shalt  }

</sc_bundles>
